<compile_context>
chip_gen: v7x
topology: tpu7x:2x2x1
jax: 0.10.2.dev20260603
libtpu: 0.0.44.dev20260713+nightly
codegen_flags: <defaults>
</compile_context>

<pallas_src>
import functools

import jax
import jax.numpy as jnp
from jax import lax
from jax.experimental import pallas as pl
from jax.experimental.pallas import tpu as pltpu
from jax.experimental.pallas import tpu_sc as plsc

EMBEDDING_DIM = 64
_NC, _NS = 2, 16
_NW = _NC * _NS
_CHUNK = 128
_L = 16


@functools.lru_cache(maxsize=None)
def _make_gather(B, V2, D):
    b_per_w = B // _NW
    n_chunks = b_per_w // _CHUNK
    mesh = plsc.VectorSubcoreMesh(core_axis_name="c", subcore_axis_name="s")

    @functools.partial(
        pl.kernel,
        mesh=mesh,
        out_type=jax.ShapeDtypeStruct((B, D), jnp.float32),
        scratch_types=[
            pltpu.VMEM((n_chunks, _CHUNK), jnp.int32),
            pltpu.VMEM((n_chunks, _CHUNK), jnp.int32),
            pltpu.VMEM((b_per_w, 2 * D), jnp.float32),
            pltpu.VMEM((b_per_w, D), jnp.float32),
            pltpu.SemaphoreType.DMA,
        ],
        compiler_params=pltpu.CompilerParams(
            use_tc_tiling_on_sc=False, needs_layout_passes=False),
    )
    def gather_kernel(idx_hbm, half_hbm, table_hbm, out_hbm,
                      idx_v, half_v, rows_v, out_v, sem):
        wid = lax.axis_index("s") * _NC + lax.axis_index("c")
        base = wid * b_per_w
        lanes = lax.iota(jnp.int32, _L)
        pltpu.sync_copy(idx_hbm.at[pl.ds(wid * n_chunks, n_chunks)], idx_v)
        pltpu.sync_copy(half_hbm.at[pl.ds(wid * n_chunks, n_chunks)], half_v)
        copies = []
        for j in range(n_chunks):
            copies.append(
                pltpu.async_copy(
                    table_hbm.at[idx_v.at[j]],
                    rows_v.at[pl.ds(j * _CHUNK, _CHUNK)],
                    sem,
                )
            )
        for c in copies:
            c.wait()

        def sel(g, carry):
            jvec = g * _L + lanes
            hvec = plsc.load_gather(
                half_v, [jvec // _CHUNK, jvec % _CHUNK]) * D

            def ext(r, c2):
                vals = plsc.load_gather(rows_v, [jvec, hvec + r])
                plsc.store_scatter(out_v, [jvec, lanes * 0 + r], vals)
                return c2

            lax.fori_loop(0, D, ext, 0)
            return carry

        lax.fori_loop(0, b_per_w // _L, sel, 0)
        pltpu.sync_copy(out_v, out_hbm.at[pl.ds(base, b_per_w)])

    return gather_kernel


def kernel(entities, entity_embeddings):
    B = entities.shape[0]
    V, D = entity_embeddings.shape
    wide = entity_embeddings.reshape(V // 2, 2 * D)
    idx = entities.astype(jnp.int32)
    idx2d = (idx >> 1).reshape(B // _CHUNK, _CHUNK)
    half2d = (idx & 1).reshape(B // _CHUNK, _CHUNK)
    out = _make_gather(B, V // 2, D)(idx2d, half2d, wide)
    return out.reshape(-1, D)

# --- scband reference (transcript-rebuilt; emitter-appended) ---
"""Pipeline reference for scband-base-module-73409581023705 (READ-ONLY COPY).

The authoritative reference and input builder live on the scoring server;
editing this copy changes nothing except your own understanding.
"""

import jax, jax.numpy as jnp
import numpy as np

NUM_ENTITIES = 1000000
EMBEDDING_DIM = 64
BATCH = 16384

def setup_inputs(seed: int = 0) -> dict:
    key = jax.random.key(seed)
    k_idx, k_tab = jax.random.split(key)
    entities = jax.random.randint(k_idx, (BATCH,), 0, NUM_ENTITIES, dtype=jnp.int64 if jax.config.jax_enable_x64 else jnp.int32)
    entity_embeddings = jax.random.normal(k_tab, (NUM_ENTITIES, EMBEDDING_DIM), dtype=jnp.float32)
    return {"entities": entities, "entity_embeddings": entity_embeddings}

def reference(entities, entity_embeddings):
    # Faithful to BaseModule._get_entity_embeddings:
    #   self.entity_embeddings(entities).view(-1, self.embedding_dim)
    emb = jnp.take(entity_embeddings, entities, axis=0)
    return emb.reshape(-1, EMBEDDING_DIM)

if __name__ == "__main__":
    import jax
    _d = setup_inputs()
    print(jax.jit(kernel)(*tuple(_d.values())))

</pallas_src>

<mosaic_0001>
#map = affine_map<(d0, d1) -> (0, 0)>
module attributes {stable_mosaic.version = 14 : i64} {
  func.func @gather_kernel(%arg0: i32, %arg1: i32, %arg2: memref<128x128xi32, #tpu.memory_space<hbm>>, %arg3: memref<128x128xi32, #tpu.memory_space<hbm>>, %arg4: memref<500000x128xf32, #tpu.memory_space<hbm>>, %arg5: memref<16384x64xf32, #tpu.memory_space<hbm>>, %arg6: memref<4x128xi32, #tpu.memory_space<vmem>>, %arg7: memref<4x128xi32, #tpu.memory_space<vmem>>, %arg8: memref<512x128xf32, #tpu.memory_space<vmem>>, %arg9: memref<512x64xf32, #tpu.memory_space<vmem>>, %arg10: memref<!tpu.dma_semaphore, #tpu.memory_space<semaphore_mem>>) attributes {dimension_semantics = [#tpu.dimension_semantics<core_parallel>, #tpu.dimension_semantics<subcore_parallel>], iteration_bounds = array<i64: 2, 16>, scalar_prefetch = 0 : i64, scratch_operands = 5 : i64, tpu.core_type = #tpu.core_type<sc_vector_subcore>, window_params = [{transform_indices = #map}, {transform_indices = #map}, {transform_indices = #map}, {transform_indices = #map}]} {
    %mul3A = arith.constant 2 : i32
    %mul3A_0 = arith.muli %arg1, %mul3A : i32
    %add3A = arith.addi %mul3A_0, %arg0 : i32
    %mul3A_1 = arith.constant 512 : i32
    %mul3A_2 = arith.muli %add3A, %mul3A_1 : i32
    %iota3A = tpu.iota {dimensions = array<i32: 0>} : vector<16xi32>
    %mul3A_3 = arith.constant 4 : i32
    %mul3A_4 = arith.muli %add3A, %mul3A_3 : i32
    "tpu.region"() ({
      %run_scoped3A = tpu.sem_alloc : memref<!tpu.dma_semaphore, #tpu.memory_space<semaphore_mem>>
      %dma_start3A_90 = arith.constant 0 : i32
      %dma_start3A_91 = tpu.memref_slice %arg2[%mul3A_4, %dma_start3A_90] : memref<128x128xi32, #tpu.memory_space<hbm>> -> memref<4x128xi32, #tpu.memory_space<hbm>>
      %dma_start3A_92 = arith.constant 0 : i32
      %dma_start3A_93 = tpu.memref_slice %arg2[%mul3A_4, %dma_start3A_92] : memref<128x128xi32, #tpu.memory_space<hbm>> -> memref<4x128xi32, #tpu.memory_space<hbm>>
      tpu.enqueue_dma source(%dma_start3A_93 : memref<4x128xi32, #tpu.memory_space<hbm>>) target(%arg6 : memref<4x128xi32, #tpu.memory_space<vmem>>) target_semaphore(%run_scoped3A : memref<!tpu.dma_semaphore, #tpu.memory_space<semaphore_mem>>)
      %dma_wait3A_94 = arith.constant 0 : i32
      %dma_wait3A_95 = tpu.memref_slice %arg2[%mul3A_4, %dma_wait3A_94] : memref<128x128xi32, #tpu.memory_space<hbm>> -> memref<4x128xi32, #tpu.memory_space<hbm>>
      %dma_wait3A_96 = arith.constant 0 : i32
      %dma_wait3A_97 = tpu.memref_slice %arg2[%mul3A_4, %dma_wait3A_96] : memref<128x128xi32, #tpu.memory_space<hbm>> -> memref<4x128xi32, #tpu.memory_space<hbm>>
      tpu.wait_dma2 semaphore(%run_scoped3A : memref<!tpu.dma_semaphore, #tpu.memory_space<semaphore_mem>>) src(%dma_wait3A_97 : memref<4x128xi32, #tpu.memory_space<hbm>>) dst(%arg6 : memref<4x128xi32, #tpu.memory_space<vmem>>)
      tpu.yield
    }) : () -> ()
    %mul3A_5 = arith.constant 4 : i32
    %mul3A_6 = arith.muli %add3A, %mul3A_5 : i32
    "tpu.region"() ({
      %run_scoped3A = tpu.sem_alloc : memref<!tpu.dma_semaphore, #tpu.memory_space<semaphore_mem>>
      %dma_start3A_90 = arith.constant 0 : i32
      %dma_start3A_91 = tpu.memref_slice %arg3[%mul3A_6, %dma_start3A_90] : memref<128x128xi32, #tpu.memory_space<hbm>> -> memref<4x128xi32, #tpu.memory_space<hbm>>
      %dma_start3A_92 = arith.constant 0 : i32
      %dma_start3A_93 = tpu.memref_slice %arg3[%mul3A_6, %dma_start3A_92] : memref<128x128xi32, #tpu.memory_space<hbm>> -> memref<4x128xi32, #tpu.memory_space<hbm>>
      tpu.enqueue_dma source(%dma_start3A_93 : memref<4x128xi32, #tpu.memory_space<hbm>>) target(%arg7 : memref<4x128xi32, #tpu.memory_space<vmem>>) target_semaphore(%run_scoped3A : memref<!tpu.dma_semaphore, #tpu.memory_space<semaphore_mem>>)
      %dma_wait3A_94 = arith.constant 0 : i32
      %dma_wait3A_95 = tpu.memref_slice %arg3[%mul3A_6, %dma_wait3A_94] : memref<128x128xi32, #tpu.memory_space<hbm>> -> memref<4x128xi32, #tpu.memory_space<hbm>>
      %dma_wait3A_96 = arith.constant 0 : i32
      %dma_wait3A_97 = tpu.memref_slice %arg3[%mul3A_6, %dma_wait3A_96] : memref<128x128xi32, #tpu.memory_space<hbm>> -> memref<4x128xi32, #tpu.memory_space<hbm>>
      tpu.wait_dma2 semaphore(%run_scoped3A : memref<!tpu.dma_semaphore, #tpu.memory_space<semaphore_mem>>) src(%dma_wait3A_97 : memref<4x128xi32, #tpu.memory_space<hbm>>) dst(%arg7 : memref<4x128xi32, #tpu.memory_space<vmem>>)
      tpu.yield
    }) : () -> ()
    %dma_start3A = arith.constant 0 : i32
    %dma_start3A_7 = arith.constant 0 : i32
    %dma_start3A_8 = arith.constant 0 : i32
    %dma_start3A_9 = tpu.memref_slice %arg8[%dma_start3A_7, %dma_start3A_8] : memref<512x128xf32, #tpu.memory_space<vmem>> -> memref<128x128xf32, #tpu.memory_space<vmem>>
    %dma_start3A_10 = arith.constant 0 : i32
    %dma_start3A_11 = tpu.memref_slice %arg6[%dma_start3A, %dma_start3A_10] : memref<4x128xi32, #tpu.memory_space<vmem>> -> memref<1x128xi32, #tpu.memory_space<vmem>>
    %dma_start3A_12 = tpu.memref_squeeze %dma_start3A_11 : memref<1x128xi32, #tpu.memory_space<vmem>> -> memref<128xi32, #tpu.memory_space<vmem>>
    %dma_start3A_13 = arith.constant 0 : i32
    %dma_start3A_14 = arith.constant 0 : i32
    %dma_start3A_15 = tpu.memref_slice %arg4[%dma_start3A_13, %dma_start3A_14] : memref<500000x128xf32, #tpu.memory_space<hbm>> -> memref<500000x128xf32, #tpu.memory_space<hbm>>
    tpu.enqueue_indirect_dma source(%dma_start3A_15 : memref<500000x128xf32, #tpu.memory_space<hbm>>) target(%dma_start3A_9 : memref<128x128xf32, #tpu.memory_space<vmem>>) offsets(%dma_start3A_12 : memref<128xi32, #tpu.memory_space<vmem>>) semaphore(%arg10 : memref<!tpu.dma_semaphore, #tpu.memory_space<semaphore_mem>>)
    %dma_start3A_16 = arith.constant 1 : i32
    %dma_start3A_17 = arith.constant 128 : i32
    %dma_start3A_18 = arith.constant 0 : i32
    %dma_start3A_19 = tpu.memref_slice %arg8[%dma_start3A_17, %dma_start3A_18] : memref<512x128xf32, #tpu.memory_space<vmem>> -> memref<128x128xf32, #tpu.memory_space<vmem>>
    %dma_start3A_20 = arith.constant 0 : i32
    %dma_start3A_21 = tpu.memref_slice %arg6[%dma_start3A_16, %dma_start3A_20] : memref<4x128xi32, #tpu.memory_space<vmem>> -> memref<1x128xi32, #tpu.memory_space<vmem>>
    %dma_start3A_22 = tpu.memref_squeeze %dma_start3A_21 : memref<1x128xi32, #tpu.memory_space<vmem>> -> memref<128xi32, #tpu.memory_space<vmem>>
    %dma_start3A_23 = arith.constant 0 : i32
    %dma_start3A_24 = arith.constant 0 : i32
    %dma_start3A_25 = tpu.memref_slice %arg4[%dma_start3A_23, %dma_start3A_24] : memref<500000x128xf32, #tpu.memory_space<hbm>> -> memref<500000x128xf32, #tpu.memory_space<hbm>>
    tpu.enqueue_indirect_dma source(%dma_start3A_25 : memref<500000x128xf32, #tpu.memory_space<hbm>>) target(%dma_start3A_19 : memref<128x128xf32, #tpu.memory_space<vmem>>) offsets(%dma_start3A_22 : memref<128xi32, #tpu.memory_space<vmem>>) semaphore(%arg10 : memref<!tpu.dma_semaphore, #tpu.memory_space<semaphore_mem>>)
    %dma_start3A_26 = arith.constant 2 : i32
    %dma_start3A_27 = arith.constant 256 : i32
    %dma_start3A_28 = arith.constant 0 : i32
    %dma_start3A_29 = tpu.memref_slice %arg8[%dma_start3A_27, %dma_start3A_28] : memref<512x128xf32, #tpu.memory_space<vmem>> -> memref<128x128xf32, #tpu.memory_space<vmem>>
    %dma_start3A_30 = arith.constant 0 : i32
    %dma_start3A_31 = tpu.memref_slice %arg6[%dma_start3A_26, %dma_start3A_30] : memref<4x128xi32, #tpu.memory_space<vmem>> -> memref<1x128xi32, #tpu.memory_space<vmem>>
    %dma_start3A_32 = tpu.memref_squeeze %dma_start3A_31 : memref<1x128xi32, #tpu.memory_space<vmem>> -> memref<128xi32, #tpu.memory_space<vmem>>
    %dma_start3A_33 = arith.constant 0 : i32
    %dma_start3A_34 = arith.constant 0 : i32
    %dma_start3A_35 = tpu.memref_slice %arg4[%dma_start3A_33, %dma_start3A_34] : memref<500000x128xf32, #tpu.memory_space<hbm>> -> memref<500000x128xf32, #tpu.memory_space<hbm>>
    tpu.enqueue_indirect_dma source(%dma_start3A_35 : memref<500000x128xf32, #tpu.memory_space<hbm>>) target(%dma_start3A_29 : memref<128x128xf32, #tpu.memory_space<vmem>>) offsets(%dma_start3A_32 : memref<128xi32, #tpu.memory_space<vmem>>) semaphore(%arg10 : memref<!tpu.dma_semaphore, #tpu.memory_space<semaphore_mem>>)
    %dma_start3A_36 = arith.constant 3 : i32
    %dma_start3A_37 = arith.constant 384 : i32
    %dma_start3A_38 = arith.constant 0 : i32
    %dma_start3A_39 = tpu.memref_slice %arg8[%dma_start3A_37, %dma_start3A_38] : memref<512x128xf32, #tpu.memory_space<vmem>> -> memref<128x128xf32, #tpu.memory_space<vmem>>
    %dma_start3A_40 = arith.constant 0 : i32
    %dma_start3A_41 = tpu.memref_slice %arg6[%dma_start3A_36, %dma_start3A_40] : memref<4x128xi32, #tpu.memory_space<vmem>> -> memref<1x128xi32, #tpu.memory_space<vmem>>
    %dma_start3A_42 = tpu.memref_squeeze %dma_start3A_41 : memref<1x128xi32, #tpu.memory_space<vmem>> -> memref<128xi32, #tpu.memory_space<vmem>>
    %dma_start3A_43 = arith.constant 0 : i32
    %dma_start3A_44 = arith.constant 0 : i32
    %dma_start3A_45 = tpu.memref_slice %arg4[%dma_start3A_43, %dma_start3A_44] : memref<500000x128xf32, #tpu.memory_space<hbm>> -> memref<500000x128xf32, #tpu.memory_space<hbm>>
    tpu.enqueue_indirect_dma source(%dma_start3A_45 : memref<500000x128xf32, #tpu.memory_space<hbm>>) target(%dma_start3A_39 : memref<128x128xf32, #tpu.memory_space<vmem>>) offsets(%dma_start3A_42 : memref<128xi32, #tpu.memory_space<vmem>>) semaphore(%arg10 : memref<!tpu.dma_semaphore, #tpu.memory_space<semaphore_mem>>)
    %dma_wait3A = arith.constant 0 : i32
    %dma_wait3A_46 = arith.constant 0 : i32
    %dma_wait3A_47 = arith.constant 0 : i32
    %dma_wait3A_48 = tpu.memref_slice %arg8[%dma_wait3A_46, %dma_wait3A_47] : memref<512x128xf32, #tpu.memory_space<vmem>> -> memref<128x128xf32, #tpu.memory_space<vmem>>
    %dma_wait3A_49 = arith.constant 0 : i32
    %dma_wait3A_50 = tpu.memref_slice %arg6[%dma_wait3A, %dma_wait3A_49] : memref<4x128xi32, #tpu.memory_space<vmem>> -> memref<1x128xi32, #tpu.memory_space<vmem>>
    %dma_wait3A_51 = tpu.memref_squeeze %dma_wait3A_50 : memref<1x128xi32, #tpu.memory_space<vmem>> -> memref<128xi32, #tpu.memory_space<vmem>>
    %dma_wait3A_52 = arith.constant 0 : i32
    %dma_wait3A_53 = arith.constant 0 : i32
    %dma_wait3A_54 = tpu.memref_slice %arg4[%dma_wait3A_52, %dma_wait3A_53] : memref<500000x128xf32, #tpu.memory_space<hbm>> -> memref<500000x128xf32, #tpu.memory_space<hbm>>
    tpu.wait_indirect_dma semaphore(%arg10 : memref<!tpu.dma_semaphore, #tpu.memory_space<semaphore_mem>>) src(%dma_wait3A_54 : memref<500000x128xf32, #tpu.memory_space<hbm>>) dst(%dma_wait3A_48 : memref<128x128xf32, #tpu.memory_space<vmem>>)
    %dma_wait3A_55 = arith.constant 1 : i32
    %dma_wait3A_56 = arith.constant 128 : i32
    %dma_wait3A_57 = arith.constant 0 : i32
    %dma_wait3A_58 = tpu.memref_slice %arg8[%dma_wait3A_56, %dma_wait3A_57] : memref<512x128xf32, #tpu.memory_space<vmem>> -> memref<128x128xf32, #tpu.memory_space<vmem>>
    %dma_wait3A_59 = arith.constant 0 : i32
    %dma_wait3A_60 = tpu.memref_slice %arg6[%dma_wait3A_55, %dma_wait3A_59] : memref<4x128xi32, #tpu.memory_space<vmem>> -> memref<1x128xi32, #tpu.memory_space<vmem>>
    %dma_wait3A_61 = tpu.memref_squeeze %dma_wait3A_60 : memref<1x128xi32, #tpu.memory_space<vmem>> -> memref<128xi32, #tpu.memory_space<vmem>>
    %dma_wait3A_62 = arith.constant 0 : i32
    %dma_wait3A_63 = arith.constant 0 : i32
    %dma_wait3A_64 = tpu.memref_slice %arg4[%dma_wait3A_62, %dma_wait3A_63] : memref<500000x128xf32, #tpu.memory_space<hbm>> -> memref<500000x128xf32, #tpu.memory_space<hbm>>
    tpu.wait_indirect_dma semaphore(%arg10 : memref<!tpu.dma_semaphore, #tpu.memory_space<semaphore_mem>>) src(%dma_wait3A_64 : memref<500000x128xf32, #tpu.memory_space<hbm>>) dst(%dma_wait3A_58 : memref<128x128xf32, #tpu.memory_space<vmem>>)
    %dma_wait3A_65 = arith.constant 2 : i32
    %dma_wait3A_66 = arith.constant 256 : i32
    %dma_wait3A_67 = arith.constant 0 : i32
    %dma_wait3A_68 = tpu.memref_slice %arg8[%dma_wait3A_66, %dma_wait3A_67] : memref<512x128xf32, #tpu.memory_space<vmem>> -> memref<128x128xf32, #tpu.memory_space<vmem>>
    %dma_wait3A_69 = arith.constant 0 : i32
    %dma_wait3A_70 = tpu.memref_slice %arg6[%dma_wait3A_65, %dma_wait3A_69] : memref<4x128xi32, #tpu.memory_space<vmem>> -> memref<1x128xi32, #tpu.memory_space<vmem>>
    %dma_wait3A_71 = tpu.memref_squeeze %dma_wait3A_70 : memref<1x128xi32, #tpu.memory_space<vmem>> -> memref<128xi32, #tpu.memory_space<vmem>>
    %dma_wait3A_72 = arith.constant 0 : i32
    %dma_wait3A_73 = arith.constant 0 : i32
    %dma_wait3A_74 = tpu.memref_slice %arg4[%dma_wait3A_72, %dma_wait3A_73] : memref<500000x128xf32, #tpu.memory_space<hbm>> -> memref<500000x128xf32, #tpu.memory_space<hbm>>
    tpu.wait_indirect_dma semaphore(%arg10 : memref<!tpu.dma_semaphore, #tpu.memory_space<semaphore_mem>>) src(%dma_wait3A_74 : memref<500000x128xf32, #tpu.memory_space<hbm>>) dst(%dma_wait3A_68 : memref<128x128xf32, #tpu.memory_space<vmem>>)
    %dma_wait3A_75 = arith.constant 3 : i32
    %dma_wait3A_76 = arith.constant 384 : i32
    %dma_wait3A_77 = arith.constant 0 : i32
    %dma_wait3A_78 = tpu.memref_slice %arg8[%dma_wait3A_76, %dma_wait3A_77] : memref<512x128xf32, #tpu.memory_space<vmem>> -> memref<128x128xf32, #tpu.memory_space<vmem>>
    %dma_wait3A_79 = arith.constant 0 : i32
    %dma_wait3A_80 = tpu.memref_slice %arg6[%dma_wait3A_75, %dma_wait3A_79] : memref<4x128xi32, #tpu.memory_space<vmem>> -> memref<1x128xi32, #tpu.memory_space<vmem>>
    %dma_wait3A_81 = tpu.memref_squeeze %dma_wait3A_80 : memref<1x128xi32, #tpu.memory_space<vmem>> -> memref<128xi32, #tpu.memory_space<vmem>>
    %dma_wait3A_82 = arith.constant 0 : i32
    %dma_wait3A_83 = arith.constant 0 : i32
    %dma_wait3A_84 = tpu.memref_slice %arg4[%dma_wait3A_82, %dma_wait3A_83] : memref<500000x128xf32, #tpu.memory_space<hbm>> -> memref<500000x128xf32, #tpu.memory_space<hbm>>
    tpu.wait_indirect_dma semaphore(%arg10 : memref<!tpu.dma_semaphore, #tpu.memory_space<semaphore_mem>>) src(%dma_wait3A_84 : memref<500000x128xf32, #tpu.memory_space<hbm>>) dst(%dma_wait3A_78 : memref<128x128xf32, #tpu.memory_space<vmem>>)
    %scan3A = arith.constant 0 : i32
    %scan3A_85 = arith.constant 0 : i32
    %scan3A_86 = arith.constant 32 : i32
    %scan3A_87 = arith.addi %scan3A_85, %scan3A_86 : i32
    %scan3A_88 = arith.constant 1 : i32
    scf.for %scan3A_90 = %scan3A_85 to %scan3A_87 step %scan3A_88  : i32 {
      %mul3A_91 = arith.constant 16 : i32
      %mul3A_92 = arith.muli %scan3A_90, %mul3A_91 : i32
      %add3A_93 = vector.broadcast %mul3A_92 : i32 to vector<16xi32>
      %add3A_94 = arith.addi %add3A_93, %iota3A : vector<16xi32>
      %jit3A = arith.constant 128 : i32
      %div3A = vector.broadcast %jit3A : i32 to vector<16xi32>
      %div3A_95 = arith.divsi %add3A_94, %div3A : vector<16xi32>
      %sign3A = arith.constant 0 : i32
      %sign3A_96 = vector.broadcast %sign3A : i32 to vector<16xi32>
      %sign3A_97 = arith.cmpi sgt, %add3A_94, %sign3A_96 : vector<16xi32>
      %sign3A_98 = arith.extui %sign3A_97 : vector<16xi1> to vector<16xi32>
      %sign3A_99 = arith.constant 0 : i32
      %sign3A_100 = vector.broadcast %sign3A_99 : i32 to vector<16xi32>
      %sign3A_101 = arith.cmpi slt, %add3A_94, %sign3A_100 : vector<16xi32>
      %sign3A_102 = arith.extui %sign3A_101 : vector<16xi1> to vector<16xi32>
      %sign3A_103 = arith.subi %sign3A_98, %sign3A_102 : vector<16xi32>
      %sign3A_104 = arith.constant 0 : i32
      %sign3A_105 = arith.cmpi sgt, %jit3A, %sign3A_104 : i32
      %sign3A_106 = arith.extui %sign3A_105 : i1 to i32
      %sign3A_107 = arith.constant 0 : i32
      %sign3A_108 = arith.cmpi slt, %jit3A, %sign3A_107 : i32
      %sign3A_109 = arith.extui %sign3A_108 : i1 to i32
      %sign3A_110 = arith.subi %sign3A_106, %sign3A_109 : i32
      %ne3A = vector.broadcast %sign3A_110 : i32 to vector<16xi32>
      %ne3A_111 = arith.cmpi ne, %sign3A_103, %ne3A : vector<16xi32>
      %rem3A = vector.broadcast %jit3A : i32 to vector<16xi32>
      %rem3A_112 = arith.remsi %add3A_94, %rem3A : vector<16xi32>
      %ne3A_113 = arith.constant 0 : i32
      %ne3A_114 = vector.broadcast %ne3A_113 : i32 to vector<16xi32>
      %ne3A_115 = arith.cmpi ne, %rem3A_112, %ne3A_114 : vector<16xi32>
      %and3A = arith.andi %ne3A_111, %ne3A_115 : vector<16xi1>
      %sub3A = arith.constant 1 : i32
      %sub3A_116 = vector.broadcast %sub3A : i32 to vector<16xi32>
      %sub3A_117 = arith.subi %div3A_95, %sub3A_116 : vector<16xi32>
      %select_n3A = arith.select %and3A, %sub3A_117, %div3A_95 : vector<16xi1>, vector<16xi32>
      %jit3A_118 = arith.constant 128 : i32
      %eq3A = arith.constant 0 : i32
      %eq3A_119 = arith.cmpi eq, %jit3A_118, %eq3A : i32
      %jit3A_120 = arith.constant 1 : i32
      %select_n3A_121 = arith.select %eq3A_119, %jit3A_120, %jit3A_118 : i32
      %rem3A_122 = vector.broadcast %select_n3A_121 : i32 to vector<16xi32>
      %rem3A_123 = arith.remsi %add3A_94, %rem3A_122 : vector<16xi32>
      %ne3A_124 = arith.constant 0 : i32
      %ne3A_125 = vector.broadcast %ne3A_124 : i32 to vector<16xi32>
      %ne3A_126 = arith.cmpi ne, %rem3A_123, %ne3A_125 : vector<16xi32>
      %lt3A = arith.constant 0 : i32
      %lt3A_127 = vector.broadcast %lt3A : i32 to vector<16xi32>
      %lt3A_128 = arith.cmpi slt, %rem3A_123, %lt3A_127 : vector<16xi32>
      %lt3A_129 = arith.constant 0 : i32
      %lt3A_130 = arith.cmpi slt, %select_n3A_121, %lt3A_129 : i32
      %ne3A_131 = vector.broadcast %lt3A_130 : i1 to vector<16xi1>
      %ne3A_132 = vector.broadcast %ne3A_131 : vector<16xi1> to vector<16xi1>
      %ne3A_133 = arith.xori %lt3A_128, %ne3A_132 : vector<16xi1>
      %and3A_134 = arith.andi %ne3A_133, %ne3A_126 : vector<16xi1>
      %add3A_135 = vector.broadcast %select_n3A_121 : i32 to vector<16xi32>
      %add3A_136 = arith.addi %rem3A_123, %add3A_135 : vector<16xi32>
      %select_n3A_137 = arith.select %and3A_134, %add3A_136, %rem3A_123 : vector<16xi1>, vector<16xi32>
      %gather3A = tpu.vector_load_idx %arg7[%select_n3A, %select_n3A_137] : memref<4x128xi32, #tpu.memory_space<vmem>>[vector<16xi32>, vector<16xi32>], vector<16xi32>,
      %mul3A_138 = arith.constant 64 : i32
      %mul3A_139 = vector.broadcast %mul3A_138 : i32 to vector<16xi32>
      %mul3A_140 = arith.muli %gather3A, %mul3A_139 : vector<16xi32>
      %scan3A_141 = arith.constant 0 : i32
      %scan3A_142 = arith.constant 0 : i32
      %scan3A_143 = arith.constant 64 : i32
      %scan3A_144 = arith.addi %scan3A_142, %scan3A_143 : i32
      %scan3A_145 = arith.constant 1 : i32
      scf.for %scan3A_147 = %scan3A_142 to %scan3A_144 step %scan3A_145  : i32 {
        %add3A_148 = vector.broadcast %scan3A_147 : i32 to vector<16xi32>
        %add3A_149 = arith.addi %mul3A_140, %add3A_148 : vector<16xi32>
        %gather3A_150 = tpu.vector_load_idx %arg8[%add3A_94, %add3A_149] : memref<512x128xf32, #tpu.memory_space<vmem>>[vector<16xi32>, vector<16xi32>], vector<16xf32>,
        %mul3A_151 = arith.constant 0 : i32
        %mul3A_152 = vector.broadcast %mul3A_151 : i32 to vector<16xi32>
        %mul3A_153 = arith.muli %iota3A, %mul3A_152 : vector<16xi32>
        %add3A_154 = vector.broadcast %scan3A_147 : i32 to vector<16xi32>
        %add3A_155 = arith.addi %mul3A_153, %add3A_154 : vector<16xi32>
        tpu.vector_store_idx %arg9[%add3A_94, %add3A_155], %gather3A_150 : memref<512x64xf32, #tpu.memory_space<vmem>>[vector<16xi32>, vector<16xi32>], vector<16xf32>,
      }
      %scan3A_146 = arith.constant 64 : i32
    }
    %scan3A_89 = arith.constant 32 : i32
    "tpu.region"() ({
      %run_scoped3A = tpu.sem_alloc : memref<!tpu.dma_semaphore, #tpu.memory_space<semaphore_mem>>
      %dma_start3A_90 = arith.constant 0 : i32
      %dma_start3A_91 = tpu.memref_slice %arg5[%mul3A_2, %dma_start3A_90] : memref<16384x64xf32, #tpu.memory_space<hbm>> -> memref<512x64xf32, #tpu.memory_space<hbm>>
      %dma_start3A_92 = arith.constant 0 : i32
      %dma_start3A_93 = tpu.memref_slice %arg5[%mul3A_2, %dma_start3A_92] : memref<16384x64xf32, #tpu.memory_space<hbm>> -> memref<512x64xf32, #tpu.memory_space<hbm>>
      tpu.enqueue_dma source(%arg9 : memref<512x64xf32, #tpu.memory_space<vmem>>) target(%dma_start3A_93 : memref<512x64xf32, #tpu.memory_space<hbm>>) target_semaphore(%run_scoped3A : memref<!tpu.dma_semaphore, #tpu.memory_space<semaphore_mem>>)
      %dma_wait3A_94 = arith.constant 0 : i32
      %dma_wait3A_95 = tpu.memref_slice %arg5[%mul3A_2, %dma_wait3A_94] : memref<16384x64xf32, #tpu.memory_space<hbm>> -> memref<512x64xf32, #tpu.memory_space<hbm>>
      %dma_wait3A_96 = arith.constant 0 : i32
      %dma_wait3A_97 = tpu.memref_slice %arg5[%mul3A_2, %dma_wait3A_96] : memref<16384x64xf32, #tpu.memory_space<hbm>> -> memref<512x64xf32, #tpu.memory_space<hbm>>
      tpu.wait_dma2 semaphore(%run_scoped3A : memref<!tpu.dma_semaphore, #tpu.memory_space<semaphore_mem>>) src(%arg9 : memref<512x64xf32, #tpu.memory_space<vmem>>) dst(%dma_wait3A_97 : memref<512x64xf32, #tpu.memory_space<hbm>>)
      tpu.yield
    }) : () -> ()
    return
  }
}

</mosaic_0001>

<sc_bundles>
// kernel: kernel.3.cloned.1.call-start
scs
__scs_entry_jumppad:
0x0: {  	(pc) =	sbr.rel $0x88, $3  }
0x1: {  	(tag) =	ssettag $0x0;
	lr =	simm.s32 $0x1  }
0x2: {  	[smem:$0x3F9F] =	sst lr;
	_ =	strace $0xD0000000  }
0x3: {  	_ = 	snop  }
0x4: {  	_ = 	snop  }
0x5: {  	_ = 	snop  }
0x6: {  	_ = 	snop  }
0x7: {  	_ = 	snop  }
__scs_overlays_trampoline_lowered:
0x8: {  	[smem:$0x3FAE] =	sst s0  }
0x9: {  	[smem:$0x3FAF] =	sst s1  }
0xa: {  	[smem:$0x3FB0] =	sst s2  }
0xb: {  	[smem:$0x3FB1] =	sst s3  }
0xc: {  	[smem:$0x3FB2] =	sst s4  }
0xd: {  	[smem:$0x3FB3] =	sst s5  }
0xe: {  	[smem:$0x3FB4] =	sst s6  }
0xf: {  	[smem:$0x3FB5] =	sst s7  }
0x10: {  	[smem:$0x3FB6] =	sst s8  }
0x11: {  	[smem:$0x3FB7] =	sst s9;
	s0 =	simm.s32 @!p0 $0x0  }
0x12: {  	s1 =	sld [smem:$0x3F9D];
	s0 =	simm.s32 @p0 $0x1  }
0x13: {  	[smem:$0x3FB8] =	sst s0;
	s0 =	simm.s32 @!p1 $0x0  }
0x14: {  	s2 =	sld [smem:$0x3F9C];
	s0 =	simm.s32 @p1 $0x1  }
0x15: {  	[smem:$0x3FB9] =	sst s0;
	s0 =	simm.s32 @!p2 $0x0  }
0x16: {  	s3 =	sld [smem:$0x3FDB];
	s0 =	simm.s32 @p2 $0x1  }
0x17: {  	s4 =	simm.s32 $0x1BF5;
	[smem:$0x3FBB] =	sst s0  }
0x18: {  	s0 =	sld [smem:$0x3F9E];
	_ =	swait.ge [sflag:s4], $0x0  }
0x19: {  	s7 =	sld [smem:$0x3F9F]  }
0x1a: {  	s8 =	sadd.s32 $0xFFFFE003, lr  }
0x1b: {  	s9 =	sadd.s32 $0xFFFFFEF7, lr;
	s5 =	simm.s32 $0xFFFFFFFF;
	p2 =	slt.u32 s8, $0xFFFFF086  }
0x1c: {  	p1 =	slt.u32 s9, $0xF7A;
	s5 =	simm.s32 @!p2 $0x0  }
0x1d: {  	s5 =	simm.s32 @p1 $0x1;
	p0 =	seq.s32 s7, s2  }
0x1e: {  	s7 =	smul.u32 @!p0 $0xF7A, s2;
	p2 =	seq.s32 @!p0 s5, $0x0  }
0x1f: {  	s9 =	smul.u32 $0xF7A, s1;
	s8 =	simm.s32 @!p0 $0x1BF5;
	p2 =	por !p2, p0  }
0x20: {  	[sflag:s8] =	ssyncset.s32 @!p0 $0xFFFFF086;
	s6 =	sadd.s32 @!p0 s3, s7;
	s7 =	simm.s32 @!p0 $0x108  }
0x21: {  	s3 =	sadd.s32 s3, s9;
	s6 =	sadd.s32 @!p0 $0x88, s6;
	s7 =	simm.s32 @p2 $0x1082  }
0x22: {  	[simem:s7], [sflag:s8] =	dma.local @!p0 [hbm:s6], $0xF7A  }
0x23: {  	s9 =	sor.u32 $0xD0000000, s2;
	s6 =	simm.s32 $0x108;
	_ =	swait.ge @!p0 [sflag:s8], $0x0  }
0x24: {  	s3 =	sadd.s32 $0x88, s3;
	s6 =	simm.s32 @!p1 $0x1082;
	[sflag:s4] =	ssyncset.s32 $0xFFFFF086  }
0x25: {  	[simem:s6], [sflag:s4] =	dma.local [hbm:s3], $0xF7A  }
0x26: {  	[smem:$0x3F9F] =	sst s1;
	(tag) =	ssettag s2;
	_ =	strace s9  }
0x27: {  	s1 =	sld [smem:$0x3FAF]  }
0x28: {  	s2 =	sld [smem:$0x3FB0]  }
0x29: {  	s4 =	sld [smem:$0x3FB2]  }
0x2a: {  	p0 =	seq.s32 s5, $0x0;
	s5 =	sld [smem:$0x3FB3]  }
0x2b: {  	s6 =	sld [smem:$0x3FB4]  }
0x2c: {  	s7 =	sld [smem:$0x3FB5]  }
0x2d: {  	s3 =	simm.s32 $0x108;
	s8 =	sld [smem:$0x3FB6]  }
0x2e: {  	s3 =	simm.s32 @!p0 $0x1082;
	s9 =	sld [smem:$0x3FB7]  }
0x2f: {  	lr =	sadd.s32 s0, s3;
	s0 =	sld [smem:$0x3FAE]  }
0x30: {  	s3 =	sld [smem:$0x3FB1]  }
0x31: {  	[smem:$0x3FBA] =	sst s10  }
0x32: {  	s10 =	sld [smem:$0x3FB8];
	_ =	sdelay $0x3  }
0x33: {  	p0 =	seq.s32 s10, $0x1;
	s10 =	sld [smem:$0x3FBA];
	_ =	sdelay $0x3  }
0x34: {  	[smem:$0x3FBA] =	sst s10  }
0x35: {  	s10 =	sld [smem:$0x3FB9];
	_ =	sdelay $0x3  }
0x36: {  	p1 =	seq.s32 s10, $0x1;
	s10 =	sld [smem:$0x3FBA];
	_ =	sdelay $0x3  }
0x37: {  	[smem:$0x3FBA] =	sst s10  }
0x38: {  	s10 =	sld [smem:$0x3FBB]  }
0x39: {  	_ = 	snop;
	(pc) =	sbr.ind lr, $3  }
0x3a: {  	_ = 	snop  }
0x3b: {  	_ = 	snop  }
0x3c: {  	p2 =	seq.s32 s10, $0x1;
	s10 =	sld [smem:$0x3FBA]  }
0x3d: {  	_ =	shalt  }
0x3e: {  	_ =	shalt  }
0x3f: {  	_ =	shalt  }
0x40: {  	_ =	shalt  }
0x41: {  	_ =	shalt  }
0x42: {  	_ =	shalt  }
0x43: {  	_ =	shalt  }
0x44: {  	_ =	shalt  }
0x45: {  	_ =	shalt  }
0x46: {  	_ =	shalt  }
0x47: {  	_ =	shalt  }
0x48: {  	_ =	shalt  }
0x49: {  	_ =	shalt  }
0x4a: {  	_ =	shalt  }
0x4b: {  	_ =	shalt  }
0x4c: {  	_ =	shalt  }
0x4d: {  	_ =	shalt  }
0x4e: {  	_ =	shalt  }
0x4f: {  	_ =	shalt  }
0x50: {  	_ =	shalt  }
0x51: {  	_ =	shalt  }
0x52: {  	_ =	shalt  }
0x53: {  	_ =	shalt  }
0x54: {  	_ =	shalt  }
0x55: {  	_ =	shalt  }
0x56: {  	_ =	shalt  }
0x57: {  	_ =	shalt  }
0x58: {  	_ =	shalt  }
0x59: {  	_ =	shalt  }
0x5a: {  	_ =	shalt  }
0x5b: {  	_ =	shalt  }
0x5c: {  	_ =	shalt  }
0x5d: {  	_ =	shalt  }
0x5e: {  	_ =	shalt  }
0x5f: {  	_ =	shalt  }
0x60: {  	_ =	shalt  }
0x61: {  	_ =	shalt  }
0x62: {  	_ =	shalt  }
0x63: {  	_ =	shalt  }
0x64: {  	_ =	shalt  }
0x65: {  	_ =	shalt  }
0x66: {  	_ =	shalt  }
0x67: {  	_ =	shalt  }
0x68: {  	_ =	shalt  }
0x69: {  	_ =	shalt  }
0x6a: {  	_ =	shalt  }
0x6b: {  	_ =	shalt  }
0x6c: {  	_ =	shalt  }
0x6d: {  	_ =	shalt  }
0x6e: {  	_ =	shalt  }
0x6f: {  	_ =	shalt  }
0x70: {  	_ =	shalt  }
0x71: {  	_ =	shalt  }
0x72: {  	_ =	shalt  }
0x73: {  	_ =	shalt  }
0x74: {  	_ =	shalt  }
0x75: {  	_ =	shalt  }
0x76: {  	_ =	shalt  }
0x77: {  	_ =	shalt  }
0x78: {  	_ =	shalt  }
0x79: {  	_ =	shalt  }
0x7a: {  	_ =	shalt  }
0x7b: {  	_ =	shalt  }
0x7c: {  	_ =	shalt  }
0x7d: {  	_ =	shalt  }
0x7e: {  	_ =	shalt  }
0x7f: {  	_ =	shalt  }
0x80: {  	_ =	shalt  }
0x81: {  	_ =	shalt  }
0x82: {  	_ =	shalt  }
0x83: {  	_ =	shalt  }
0x84: {  	_ =	shalt  }
0x85: {  	_ =	shalt  }
0x86: {  	_ =	shalt  }
0x87: {  	_ =	shalt  }
.Lfunc_end0:
.L_simem_size_0:
called_computation_lowered:
.L_overlay_start_0:
0x88: {  	s2 =	sld [smem:$0x3FD9]  }
0x89: {  	s3 =	sld [smem:$0x3FFE];
	_ =	sdelay $0x1  }
0x8a: {  	s1 =	srdreg.scid  }
0x8b: {  	s0 =	sand.u32 $0x1, s1  }
0x8c: {  	s17 =	sshll.u32 s0, $0xA;
	s2 =	sadd.s32 s3, s2  }
0x8d: {  	s2 =	sadd.s32 s2, s17  }
0x8e: {  	[smem:$0x3FC6] =	sst s2  }
0x8f: {  	_ = 	snop  }
0x90: {  	s2 =	sld [smem:$0x3FD0];
	(tm) =	ssettm $0x1  }
0x91: {  	s18 =	sld [smem:$0x3FFB];
	_ =	sdelay $0x3  }
0x92: {  	_ =	strace s18  }
0x93: {  	s3 =	sld [smem:$0x3FFC];
	_ =	sdelay $0x3  }
0x94: {  	_ =	strace s3  }
0x95: {  	s3 =	sld [smem:$0x3FFD];
	_ =	sdelay $0x3  }
0x96: {  	_ =	strace s3  }
0x97: {  	_ =	strace $0x8FFFFFFF  }
0x98: {  	s19 =	sld [smem:$0x3FDB];
	_ =	sdelay $0x1  }
0x99: {  	s4 =	simm.s32 $_scs_section_size  }
0x9a: {  	s5 =	simm.s32 $_size__tile_overlayer_lowered;
	s6 =	simm.s32 $_tile_overlayer_lowered  }
0x9b: {  	s22 =	simm.s32 $0x1BFF;
	s21 =	sshll.u32 s6, $0x1;
	s3 =	sadd.s32 s4, s19  }
0x9c: {  	s7 =	simm.s32 $0x0;
	s20 =	sshll.u32 s5, $0x1;
	s5 =	sadd.s32 s21, s3  }
0x9d: {  	[timem:s7], [sflag:s22] =	dma.local [hbm:s5], s20  }
0x9e: {  	_ =	swait.ge [sflag:s22], s20  }
0x9f: {  	s4 =	ssub.s32 $0x0, s20;
	[sflag:s22] =	ssyncset.done $0x0  }
0xa0: {  	[sflag:s22] =	ssyncadd.s32 s4;
	_ =	sdelay $0x1  }
0xa1: {  	s23 =	simm.s32 $0x1B8B  }
0xa2: {  	_ =	swait.ge [sflag:s23], $0x1  }
0xa3: {  	[sflag:s23] =	ssyncset.done $0x0  }
0xa4: {  	s25 =	simm.s32 $0x1B8E;
	s24 =	sld [smem:$0x3FFE];
	[sflag:s23] =	ssyncadd.s32 $0xFFFFFFFF  }
0xa5: {  	s26 =	simm.s32 $execute0_lowered;
	[smem:$0x3FD2] =	sst s25  }
0xa6: {  	s5 =	sshll.u32 s26, $0x1;
	_ =	strace $0x80000046;
	[dreg:$0x1] =	wrdreg $0xFFFFFFFF  }
0xa7: {  	s28 =	simm.s32 $_size_execute0_lowered;
	s3 =	sadd.s32 s3, s5;
	[dreg:$0x0] =	wrdreg $0x0  }
0xa8: {  	s5 =	sshll.u32 s28, $0x1;
	[dreg:$0x2] =	wrdreg s3  }
0xa9: {  	[dreg:$0x3] =	wrdreg s5  }
0xaa: {  	[dreg:$0x4] =	wrdreg $0xC0  }
0xab: {  	_ =	task [dreg:s7], $0x5FFFF  }
0xac: {  	[dreg:$0x1] =	wrdreg $0xFFFFFFFF  }
0xad: {  	[dreg:$0x0] =	wrdreg $0x60  }
0xae: {  	[dreg:$0x2] =	wrdreg s24  }
0xaf: {  	[dreg:$0x3] =	wrdreg s2  }
0xb0: {  	[dreg:$0x4] =	wrdreg $0x9  }
0xb1: {  	_ =	task.clear_ibuf [dreg:s7], $0x5FFFF;
	_ =	strace $0x90000046  }
0xb2: {  	s29 =	simm.s32 $0x9;
	_ =	strace $0x80000048  }
0xb3: {  	_ =	swait.ge [sflag:s29], $0x1  }
0xb4: {  	[sflag:s29] =	ssyncadd.s32 $0xFFFFFFFF  }
0xb5: {  	_ =	strace $0x90000048  }
0xb6: {  	_ =	sfence  }
0xb7: {  	s30 =	sld [smem:$0x0];
	_ =	sdelay $0x2  }
0xb8: {  	s31 =	sshll.u32 s1, $0xD;
	s1 =	sshrl.u32 s1, $0x2  }
0xb9: {  	s3 =	sand.u32 $0x4000, s31;
	s1 =	sadd.s32 s1, s30  }
0xba: {  	s0 =	sor.u32 s3, s0;
	s1 =	sshll.u32 s1, $0x11  }
0xbb: {  	s0 =	sor.u32 s1, s0  }
0xbc: {  	s0 =	sadd.s32 $0x8F2B, s0  }
0xbd: {  	[sflag:s0] =	ssyncadd.remote.s32 $0x1  }
0xbe: {  	_ =	sfence.sel $0xFFFF  }
0xbf: {  	[dreg:$0x0] =	wrdreg $0xFFFFFFFF;
	(pc) =	sbr.abs _section_cstart, $3  }
0xc0: {  	[dreg:$0x1] =	wrdreg $0xFFFFFFFF  }
0xc1: {  	_ =	task.clear_ibuf [dreg:s7], $0x2FFFF;
	_ =	strace $0x9FFFFFFF  }
0xc2: {  	(tm) =	ssettm $0x7FFFFFFF  }
0xc3: {  	_ =	shalt  }
tec
execute0_lowered:
.L_overlay_start_1:
0x0: {  	(tag) =	ssettag $0x1  }
0x1: {  	s3 =	rddreg [dreg:$0x0]  }
0x2: {  	s6 =	rddreg [dreg:$0x1]  }
0x3: {  	s0 =	rddreg [dreg:$0x2];
	s4 =	srdreg.scid  }
0x4: {  	s1 =	stileid.u32;
	s2 =	simm.s32 $0x0;
	s10 =	simm.s32 $0x80  }
0x5: {  	s11 =	simm.s32 $0x400;
	s12 =	simm.s32 $0x4400;
	s13 =	simm.s32 $0x100  }
0x6: {  	s14 =	simm.s32 $0x8400;
	s15 =	simm.s32 $0x180;
	s16 =	simm.s32 $0xC400  }
0x7: {  	s17 =	simm.s32 $0x1;
	s18 =	simm.s32 $0x10400;
	s19 =	simm.s32 $0x0  }
0x8: {  	s4 =	sand.u32 $0x1, s4;
	s5 =	sshll.u32 s1, $0x1;
	[smem:$0x7FF] =	sst s2  }
0x9: {  	s5 =	sor.u32 s4, s5;
	_ =	strace $0x80000047;
	s4 =	ssub.s32 $0x2, s4  }
0xa: {  	s7 =	sshll.u32 s5, $0x6;
	s8 =	sshrl.u32 s4, $0x1;
	s9 =	sshll.u32 s5, $0xC  }
0xb: {  	s7 =	sadd.s32 s7, s3;
	s3 =	sadd.s32 $0xF43A00, s3;
	s8 =	ssub.s32 s4, s8  }
0xc: {  	s6 =	sadd.s32 s6, s9;
	s9 =	simm.s32 $0x200;
	s4 =	sadd.s32 $0xE00, s7  }
0xd: {  	v0 =	vlaneseq.u32;
	v1 =	vimm.s32 $0x0;
	s5 =	sadd.s32 $0x600, s7;
	s7 =	smax.u32 s8, $0x1;
	s8 =	simm.s32 $0x2  }
.LBB2_1:
0xe: {  	[tilespmem:s2], [sflag:$0x2] =	stream.linear.gather [hbm4b:s4+s2], $0x200, $0x38;
	[tilespmem:$0x18400] =	vst v63  }
0xf: {  	_ =	swait.ge [sflag:s8], $0x200  }
0x10: {  	[sflag:s8] =	ssyncset.done $0x0  }
0x11: {  	[sflag:s8] =	ssyncadd.s32 $0xFFFFFE00  }
0x12: {  	[tilespmem:s9], [sflag:$0x2] =	stream.linear.gather [hbm4b:s5+s2], $0x200, $0x38;
	[tilespmem:$0x18400] =	vst v63  }
0x13: {  	_ =	swait.ge [sflag:s8], $0x200  }
0x14: {  	[sflag:s8] =	ssyncset.done $0x0  }
0x15: {  	[sflag:s8] =	ssyncadd.s32 $0xFFFFFE00  }
0x16: {  	[tilespmem:s11], [sflag:$0x1] =	stream.indirect.gather [hbm4b:s3+s10], $0x80, s2, s10, $0xb8;
	[tilespmem:$0x18400] =	vst v63  }
0x17: {  	_ = 	snop  }
0x18: {  	[tilespmem:s12], [sflag:$0x1] =	stream.indirect.gather [hbm4b:s3+s10], $0x80, s10, s10, $0xb8;
	[tilespmem:$0x18400] =	vst v63  }
0x19: {  	_ = 	snop  }
0x1a: {  	[tilespmem:s14], [sflag:$0x1] =	stream.indirect.gather [hbm4b:s3+s10], $0x80, s13, s10, $0xb8;
	[tilespmem:$0x18400] =	vst v63  }
0x1b: {  	_ = 	snop  }
0x1c: {  	[tilespmem:s16], [sflag:$0x1] =	stream.indirect.gather [hbm4b:s3+s10], $0x80, s15, s10, $0xb8;
	[tilespmem:$0x18400] =	vst v63  }
0x1d: {  	_ =	swait.ge [sflag:s17], $0x4000  }
0x1e: {  	[sflag:s17] =	ssyncset.done $0x0  }
0x1f: {  	[sflag:s17] =	ssyncadd.s32 $0xFFFFC000  }
0x20: {  	_ =	swait.ge [sflag:s17], $0x4000  }
0x21: {  	[sflag:s17] =	ssyncset.done $0x0  }
0x22: {  	[sflag:s17] =	ssyncadd.s32 $0xFFFFC000  }
0x23: {  	_ =	swait.ge [sflag:s17], $0x4000  }
0x24: {  	[sflag:s17] =	ssyncset.done $0x0  }
0x25: {  	[sflag:s17] =	ssyncadd.s32 $0xFFFFC000  }
0x26: {  	_ =	swait.ge [sflag:s17], $0x4000  }
0x27: {  	[sflag:s17] =	ssyncset.done $0x0  }
0x28: {  	s20 =	simm.s32 $0x0;
	[sflag:s17] =	ssyncadd.s32 $0xFFFFC000  }
.LBB2_2:
0x29: {  	s21 =	sshll.u32 s20, $0x4  }
0x2a: {  	v3 =	vor.u32 s21, v0  }
0x2b: {  	v2 =	vmov s21;
	v4 =	vand.u32 $0x7F, v3  }
0x2c: {  	vm0 =	veq.s32 v2, v0;
	vm1 =	vne.s32 v4, $0x0  }
0x2d: {  	vm0 =	vmand vm0, vm1  }
0x2e: {  	v2 =	vsel vm0, $0xFFFFFFFF, v1  }
0x2f: {  	v2 =	vshll.u32 v2, $0x7  }
0x30: {  	v2 =	vadd.s32 s21, v2  }
0x31: {  	v2 =	vand.u32 $0xFFFFFF80, v2  }
0x32: {  	v2 =	vor.u32 v4, v2;
	_ =	sdelay $0x4  }
0x33: {  	v2 =	vld.idx.msk [tilespmem:v2+s9+$0x0], $0xffff;
	_ =	sdelay $0x3  }
0x34: {  	s21 =	simm.s32 $0x0  }
0x35: {  	v5 =	vmov s21;
	v4 =	vshll.u32 v3, $0x7;
	v2 =	vshll.u32 v2, $0x6  }
0x36: {  	v2 =	vadd.s32 v4, v2;
	v4 =	vand.u32 $0x3F, v5  }
0x37: {  	v4 =	vor.u32 v4, v2;
	_ =	sdelay $0x3  }
0x38: {  	s22 =	simm.s32 $0x1  }
0x39: {  	s23 =	simm.s32 $0x2;
	v3 =	vshll.u32 v3, $0x6;
	v5 =	vmov s22;
	v4 =	vld.idx.msk [tilespmem:v4+s11+$0x0], $0xffff  }
.LBB2_3:
0x3a: {  	p0 =	sne.s32 s23, $0x3F;
	v5 =	vand.u32 $0x3F, v5;
	v6 =	vadd.s32 s21, v3;
	s21 =	smov.u32 s22;
	s22 =	smov.u32 s23  }
0x3b: {  	v7 =	vor.u32 v5, v2  }
.Ltmp0:
0x3c: {  	(pc) =	sbr.rel @p0 .LBB2_3-.Ltmp0, $3  }
0x3d: {  	_ =	sdelay $0x1  }
0x3e: {  	[tilespmem:v6+s18+$0x0] =	vst.idx.msk $0xffff, v4  }
0x3f: {  	s23 =	sadd.s32 $0x1, s23;
	v5 =	vmov s22;
	v4 =	vld.idx.msk [tilespmem:v7+s11+$0x0], $0xffff  }
0x40: {  	v5 =	vand.u32 $0x3F, v5;
	v6 =	vadd.s32 s21, v3  }
0x41: {  	v2 =	vor.u32 v5, v2;
	_ =	sdelay $0x3  }
0x42: {  	s20 =	sadd.s32 $0x1, s20;
	[tilespmem:v6+s18+$0x0] =	vst.idx.msk $0xffff, v4  }
0x43: {  	v3 =	vadd.s32 s22, v3;
	p0 =	sne.s32 s20, $0x20;
	v2 =	vld.idx.msk [tilespmem:v2+s11+$0x0], $0xffff  }
.Ltmp1:
0x44: {  	_ = 	snop;
	(pc) =	sbr.rel @p0 .LBB2_2-.Ltmp1, $2  }
0x45: {  	_ =	sdelay $0x2  }
0x46: {  	[tilespmem:v3+s18+$0x0] =	vst.idx.msk $0xffff, v2  }
0x47: {  	s19 =	sadd.s32 $0x1, s19  }
0x48: {  	p0 =	sne.s32 s19, s7  }
.Ltmp2:
0x49: {  	_ = 	snop;
	(pc) =	sbr.rel @p0 .LBB2_1-.Ltmp2, $4  }
0x4a: {  	[hbm4b:s6+s2] =	stream.linear.scatter [tilespmem:s18], [sflag:$0x2], $0x8000, $0x38;
	[tilespmem:$0x18400] =	vst v63  }
0x4b: {  	_ =	swait.ge [sflag:s8], $0x8000  }
0x4c: {  	[sflag:s8] =	ssyncset.done $0x0  }
0x4d: {  	[sflag:s8] =	ssyncadd.s32 $0xFFFF8000  }
0x4e: {  	_ =	sfence.sel $0x180000  }
0x4f: {  	[bflag:$0x0] =	sbarrier.arrive $0xFFFF  }
0x50: {  	p0 =	sne.s32 s1, $0x0;
	_ =	strace $0x90000047  }
0x51: {  	s0 =	sadd.s32 @!p0 $0x100000, s0;
	[bflag:$0x2] =	sbarrier.arrive $0xFFFF  }
0x52: {  	[sflag:s0] =	ssyncadd.tile.s32 @!p0 $0x1;
	_ =	shalt  }
.Lfunc_end2:
_tile_overlayer_lowered:
.L_overlay_start_2:
0x53: {  	(tag) =	ssettag $0x2  }
0x54: {  	s0 =	rddreg [dreg:$0x0];
	s2 =	stileid.u32  }
0x55: {  	s1 =	rddreg [dreg:$0x1];
	p0 =	sne.s32 s2, $0x0  }
0x56: {  	s3 =	rddreg [dreg:$0x2];
	[bflag:$0x3] =	sbarrier.arrive $0xFFFF;
	s2 =	simm.s32 @!p0 $0x1C02  }
0x57: {  	[timem:s3], [sflag:s2] =	dma.local @!p0 [hbm:s0], s1  }
0x58: {  	s0 =	simm.s32 @!p0 $0x2  }
0x59: {  	_ =	swait.ge @!p0 [sflag:s0], s1  }
0x5a: {  	s1 =	ssub.s32 @!p0 $0x0, s1;
	[sflag:s0] =	ssyncset.done @!p0 $0x0  }
0x5b: {  	[sflag:s0] =	ssyncadd.s32 @!p0 s1  }
0x5c: {  	[bflag:$0x3] =	sbarrier.arrive $0xFFFF  }
0x5d: {  	_ =	shalt  }

</sc_bundles>
